<compile_context>
chip_gen: v7x
topology: tpu7x:2x2x1
jax: 0.10.2.dev20260603
libtpu: 0.0.44.dev20260713+nightly
codegen_flags: <defaults>
</compile_context>

<pallas_src>
import functools

import jax
import jax.numpy as jnp
from jax import lax
from jax.experimental import pallas as pl
from jax.experimental.pallas import tpu as pltpu
from jax.experimental.pallas import tpu_sc as plsc

_NC = 2
_NS = 16
_NW = _NC * _NS
_CHUNK = 100


@functools.partial(jax.jit, static_argnames=("B", "L", "D"))
def _pool(x2, table, B, L, D):
    n_chunks = L // _CHUNK
    rows_per_w = B // _NW
    mesh = plsc.VectorSubcoreMesh(core_axis_name="c", subcore_axis_name="s")

    @functools.partial(
        pl.kernel,
        out_type=jax.ShapeDtypeStruct((B, D), jnp.float32),
        mesh=mesh,
        scratch_types=[
            pltpu.VMEM((n_chunks, _CHUNK), jnp.int32),
            pltpu.VMEM((L, D), jnp.float32),
            pltpu.VMEM((D,), jnp.float32),
            pltpu.SemaphoreType.DMA,
        ],
        compiler_params=pltpu.CompilerParams(use_tc_tiling_on_sc=False),
    )
    def body(x_hbm, table_hbm, out_hbm, idx_v, rows_v, pooled_v, sem):
        wid = lax.axis_index("s") * _NC + lax.axis_index("c")
        base = wid * rows_per_w

        def row_body(i, carry):
            row = base + i
            pltpu.sync_copy(x_hbm.at[pl.ds(row * n_chunks, n_chunks)], idx_v)
            cps = []
            for c in range(n_chunks):
                cps.append(
                    pltpu.async_copy(
                        table_hbm.at[idx_v.at[c]],
                        rows_v.at[pl.ds(c * _CHUNK, _CHUNK)],
                        sem,
                    )
                )
            for cp in cps:
                cp.wait()

            zero = jnp.zeros((16,), jnp.float32)
            nv = D // 16

            def acc_body(r, accs):
                return tuple(
                    accs[k] + rows_v[r, pl.ds(k * 16, 16)] for k in range(nv)
                )

            accs = lax.fori_loop(0, L, acc_body, (zero,) * nv)
            scale = jnp.float32(1.0 / L)
            for k in range(nv):
                pooled_v[pl.ds(k * 16, 16)] = accs[k] * scale
            pltpu.sync_copy(pooled_v, out_hbm.at[row])
            return carry

        lax.fori_loop(0, rows_per_w, row_body, 0)

    return body(x2, table)


def _mm_body(p_ref, w_ref, b_ref, o_ref):
    o_ref[...] = (
        jnp.dot(p_ref[...], w_ref[...], preferred_element_type=jnp.float32)
        + b_ref[...]
    )


def kernel(x, table, W, b):
    B, L = x.shape
    V, D = table.shape
    x2 = x.astype(jnp.int32).reshape(B * (L // _CHUNK), _CHUNK)
    pooled = _pool(x2, table, B=B, L=L, D=D)
    out = pl.pallas_call(
        _mm_body,
        out_shape=jax.ShapeDtypeStruct((B, W.shape[1]), jnp.float32),
    )(pooled, W, b.reshape(1, -1))
    return out

# --- scband reference (transcript-rebuilt; emitter-appended) ---
"""Pipeline reference for scband-text-classifier-59365037965777 (READ-ONLY COPY).

The authoritative reference and input builder live on the scoring server;
editing this copy changes nothing except your own understanding.
"""

import jax, jax.numpy as jnp
import numpy as np

VOCAB = 1000000
EMBED_DIM = 64
NUM_CLASSES = 32
BATCH = 4096
SEQ_LEN = 200


def setup_inputs(seed: int = 0) -> dict:
    key = jax.random.key(seed)
    k1, k2, k3 = jax.random.split(key, 3)
    x = jax.random.randint(k1, (BATCH, SEQ_LEN), 0, VOCAB, dtype=jnp.int64) if jax.config.jax_enable_x64 else jax.random.randint(k1, (BATCH, SEQ_LEN), 0, VOCAB, dtype=jnp.int32)
    table = jax.random.normal(k2, (VOCAB, EMBED_DIM), dtype=jnp.float32) * 0.02
    W = jax.random.normal(k3, (EMBED_DIM, NUM_CLASSES), dtype=jnp.float32) * (1.0 / np.sqrt(EMBED_DIM))
    b = jnp.zeros((NUM_CLASSES,), dtype=jnp.float32)
    return {"x": x, "table": table, "W": W, "b": b}


def reference(x, table, W, b):
    # embedding lookup: [B, L] -> [B, L, D]
    embedded = jnp.take(table, x, axis=0)
    # mean pool over sequence dim: [B, D]
    pooled = embedded.mean(axis=1)
    # linear classifier head: [B, num_classes]
    return pooled @ W + b

if __name__ == "__main__":
    import jax
    _d = setup_inputs()
    print(jax.jit(kernel)(*tuple(_d.values())))

</pallas_src>

<mosaic_0001>
#map = affine_map<(d0, d1) -> (0, 0)>
module attributes {stable_mosaic.version = 14 : i64} {
  func.func @body(%arg0: i32, %arg1: i32, %arg2: memref<8192x100xi32, #tpu.memory_space<hbm>>, %arg3: memref<1000000x64xf32, #tpu.memory_space<hbm>>, %arg4: memref<4096x64xf32, #tpu.memory_space<hbm>>, %arg5: memref<2x100xi32, #tpu.memory_space<vmem>>, %arg6: memref<200x64xf32, #tpu.memory_space<vmem>>, %arg7: memref<64xf32, #tpu.memory_space<vmem>>, %arg8: memref<!tpu.dma_semaphore, #tpu.memory_space<semaphore_mem>>) attributes {dimension_semantics = [#tpu.dimension_semantics<core_parallel>, #tpu.dimension_semantics<subcore_parallel>], iteration_bounds = array<i64: 2, 16>, scalar_prefetch = 0 : i64, scratch_operands = 4 : i64, tpu.core_type = #tpu.core_type<sc_vector_subcore>, window_params = [{transform_indices = #map}, {transform_indices = #map}, {transform_indices = #map}]} {
    %mul3A = arith.constant 2 : i32
    %mul3A_0 = arith.muli %arg1, %mul3A : i32
    %add3A = arith.addi %mul3A_0, %arg0 : i32
    %mul3A_1 = arith.constant 128 : i32
    %mul3A_2 = arith.muli %add3A, %mul3A_1 : i32
    %scan3A = arith.constant 0 : i32
    %scan3A_3 = arith.constant 0 : i32
    %scan3A_4 = arith.constant 128 : i32
    %scan3A_5 = arith.addi %scan3A_3, %scan3A_4 : i32
    %scan3A_6 = arith.constant 1 : i32
    scf.for %scan3A_8 = %scan3A_3 to %scan3A_5 step %scan3A_6  : i32 {
      %add3A_9 = arith.addi %mul3A_2, %scan3A_8 : i32
      %mul3A_10 = arith.constant 2 : i32
      %mul3A_11 = arith.muli %add3A_9, %mul3A_10 : i32
      "tpu.region"() ({
        %run_scoped3A = tpu.sem_alloc : memref<!tpu.dma_semaphore, #tpu.memory_space<semaphore_mem>>
        %dma_start3A_84 = arith.constant 0 : i32
        %dma_start3A_85 = tpu.memref_slice %arg2[%mul3A_11, %dma_start3A_84] : memref<8192x100xi32, #tpu.memory_space<hbm>> -> memref<2x100xi32, #tpu.memory_space<hbm>>
        %dma_start3A_86 = arith.constant 0 : i32
        %dma_start3A_87 = tpu.memref_slice %arg2[%mul3A_11, %dma_start3A_86] : memref<8192x100xi32, #tpu.memory_space<hbm>> -> memref<2x100xi32, #tpu.memory_space<hbm>>
        tpu.enqueue_dma source(%dma_start3A_87 : memref<2x100xi32, #tpu.memory_space<hbm>>) target(%arg5 : memref<2x100xi32, #tpu.memory_space<vmem>>) target_semaphore(%run_scoped3A : memref<!tpu.dma_semaphore, #tpu.memory_space<semaphore_mem>>)
        %dma_wait3A_88 = arith.constant 0 : i32
        %dma_wait3A_89 = tpu.memref_slice %arg2[%mul3A_11, %dma_wait3A_88] : memref<8192x100xi32, #tpu.memory_space<hbm>> -> memref<2x100xi32, #tpu.memory_space<hbm>>
        %dma_wait3A_90 = arith.constant 0 : i32
        %dma_wait3A_91 = tpu.memref_slice %arg2[%mul3A_11, %dma_wait3A_90] : memref<8192x100xi32, #tpu.memory_space<hbm>> -> memref<2x100xi32, #tpu.memory_space<hbm>>
        tpu.wait_dma2 semaphore(%run_scoped3A : memref<!tpu.dma_semaphore, #tpu.memory_space<semaphore_mem>>) src(%dma_wait3A_91 : memref<2x100xi32, #tpu.memory_space<hbm>>) dst(%arg5 : memref<2x100xi32, #tpu.memory_space<vmem>>)
        tpu.yield
      }) : () -> ()
      %dma_start3A = arith.constant 0 : i32
      %dma_start3A_12 = arith.constant 0 : i32
      %dma_start3A_13 = arith.constant 0 : i32
      %dma_start3A_14 = tpu.memref_slice %arg6[%dma_start3A_12, %dma_start3A_13] : memref<200x64xf32, #tpu.memory_space<vmem>> -> memref<100x64xf32, #tpu.memory_space<vmem>>
      %dma_start3A_15 = arith.constant 0 : i32
      %dma_start3A_16 = tpu.memref_slice %arg5[%dma_start3A, %dma_start3A_15] : memref<2x100xi32, #tpu.memory_space<vmem>> -> memref<1x100xi32, #tpu.memory_space<vmem>>
      %dma_start3A_17 = tpu.memref_squeeze %dma_start3A_16 : memref<1x100xi32, #tpu.memory_space<vmem>> -> memref<100xi32, #tpu.memory_space<vmem>>
      %dma_start3A_18 = arith.constant 0 : i32
      %dma_start3A_19 = arith.constant 0 : i32
      %dma_start3A_20 = tpu.memref_slice %arg3[%dma_start3A_18, %dma_start3A_19] : memref<1000000x64xf32, #tpu.memory_space<hbm>> -> memref<1000000x64xf32, #tpu.memory_space<hbm>>
      tpu.enqueue_indirect_dma source(%dma_start3A_20 : memref<1000000x64xf32, #tpu.memory_space<hbm>>) target(%dma_start3A_14 : memref<100x64xf32, #tpu.memory_space<vmem>>) offsets(%dma_start3A_17 : memref<100xi32, #tpu.memory_space<vmem>>) semaphore(%arg8 : memref<!tpu.dma_semaphore, #tpu.memory_space<semaphore_mem>>)
      %dma_start3A_21 = arith.constant 1 : i32
      %dma_start3A_22 = arith.constant 100 : i32
      %dma_start3A_23 = arith.constant 0 : i32
      %dma_start3A_24 = tpu.memref_slice %arg6[%dma_start3A_22, %dma_start3A_23] : memref<200x64xf32, #tpu.memory_space<vmem>> -> memref<100x64xf32, #tpu.memory_space<vmem>>
      %dma_start3A_25 = arith.constant 0 : i32
      %dma_start3A_26 = tpu.memref_slice %arg5[%dma_start3A_21, %dma_start3A_25] : memref<2x100xi32, #tpu.memory_space<vmem>> -> memref<1x100xi32, #tpu.memory_space<vmem>>
      %dma_start3A_27 = tpu.memref_squeeze %dma_start3A_26 : memref<1x100xi32, #tpu.memory_space<vmem>> -> memref<100xi32, #tpu.memory_space<vmem>>
      %dma_start3A_28 = arith.constant 0 : i32
      %dma_start3A_29 = arith.constant 0 : i32
      %dma_start3A_30 = tpu.memref_slice %arg3[%dma_start3A_28, %dma_start3A_29] : memref<1000000x64xf32, #tpu.memory_space<hbm>> -> memref<1000000x64xf32, #tpu.memory_space<hbm>>
      tpu.enqueue_indirect_dma source(%dma_start3A_30 : memref<1000000x64xf32, #tpu.memory_space<hbm>>) target(%dma_start3A_24 : memref<100x64xf32, #tpu.memory_space<vmem>>) offsets(%dma_start3A_27 : memref<100xi32, #tpu.memory_space<vmem>>) semaphore(%arg8 : memref<!tpu.dma_semaphore, #tpu.memory_space<semaphore_mem>>)
      %dma_wait3A = arith.constant 0 : i32
      %dma_wait3A_31 = arith.constant 0 : i32
      %dma_wait3A_32 = arith.constant 0 : i32
      %dma_wait3A_33 = tpu.memref_slice %arg6[%dma_wait3A_31, %dma_wait3A_32] : memref<200x64xf32, #tpu.memory_space<vmem>> -> memref<100x64xf32, #tpu.memory_space<vmem>>
      %dma_wait3A_34 = arith.constant 0 : i32
      %dma_wait3A_35 = tpu.memref_slice %arg5[%dma_wait3A, %dma_wait3A_34] : memref<2x100xi32, #tpu.memory_space<vmem>> -> memref<1x100xi32, #tpu.memory_space<vmem>>
      %dma_wait3A_36 = tpu.memref_squeeze %dma_wait3A_35 : memref<1x100xi32, #tpu.memory_space<vmem>> -> memref<100xi32, #tpu.memory_space<vmem>>
      %dma_wait3A_37 = arith.constant 0 : i32
      %dma_wait3A_38 = arith.constant 0 : i32
      %dma_wait3A_39 = tpu.memref_slice %arg3[%dma_wait3A_37, %dma_wait3A_38] : memref<1000000x64xf32, #tpu.memory_space<hbm>> -> memref<1000000x64xf32, #tpu.memory_space<hbm>>
      tpu.wait_indirect_dma semaphore(%arg8 : memref<!tpu.dma_semaphore, #tpu.memory_space<semaphore_mem>>) src(%dma_wait3A_39 : memref<1000000x64xf32, #tpu.memory_space<hbm>>) dst(%dma_wait3A_33 : memref<100x64xf32, #tpu.memory_space<vmem>>)
      %dma_wait3A_40 = arith.constant 1 : i32
      %dma_wait3A_41 = arith.constant 100 : i32
      %dma_wait3A_42 = arith.constant 0 : i32
      %dma_wait3A_43 = tpu.memref_slice %arg6[%dma_wait3A_41, %dma_wait3A_42] : memref<200x64xf32, #tpu.memory_space<vmem>> -> memref<100x64xf32, #tpu.memory_space<vmem>>
      %dma_wait3A_44 = arith.constant 0 : i32
      %dma_wait3A_45 = tpu.memref_slice %arg5[%dma_wait3A_40, %dma_wait3A_44] : memref<2x100xi32, #tpu.memory_space<vmem>> -> memref<1x100xi32, #tpu.memory_space<vmem>>
      %dma_wait3A_46 = tpu.memref_squeeze %dma_wait3A_45 : memref<1x100xi32, #tpu.memory_space<vmem>> -> memref<100xi32, #tpu.memory_space<vmem>>
      %dma_wait3A_47 = arith.constant 0 : i32
      %dma_wait3A_48 = arith.constant 0 : i32
      %dma_wait3A_49 = tpu.memref_slice %arg3[%dma_wait3A_47, %dma_wait3A_48] : memref<1000000x64xf32, #tpu.memory_space<hbm>> -> memref<1000000x64xf32, #tpu.memory_space<hbm>>
      tpu.wait_indirect_dma semaphore(%arg8 : memref<!tpu.dma_semaphore, #tpu.memory_space<semaphore_mem>>) src(%dma_wait3A_49 : memref<1000000x64xf32, #tpu.memory_space<hbm>>) dst(%dma_wait3A_43 : memref<100x64xf32, #tpu.memory_space<vmem>>)
      %broadcast_in_dim3A = arith.constant 0.000000e+00 : f32
      %broadcast_in_dim3A_50 = vector.broadcast %broadcast_in_dim3A : f32 to vector<16xf32>
      %scan3A_51 = arith.constant 0 : i32
      %scan3A_52 = arith.constant 200 : i32
      %scan3A_53 = arith.addi %scan3A_51, %scan3A_52 : i32
      %scan3A_54 = arith.constant 1 : i32
      %scan3A_55:4 = scf.for %scan3A_84 = %scan3A_51 to %scan3A_53 step %scan3A_54 iter_args(%scan3A_85 = %broadcast_in_dim3A_50, %scan3A_86 = %broadcast_in_dim3A_50, %scan3A_87 = %broadcast_in_dim3A_50, %scan3A_88 = %broadcast_in_dim3A_50) -> (vector<16xf32>, vector<16xf32>, vector<16xf32>, vector<16xf32>)  : i32 {
        %get3A = arith.index_cast %scan3A_84 : i32 to index
        %get3A_89 = arith.constant 0 : index
        %get3A_90 = tpu.vector_load %arg6[%get3A, %get3A_89] {strides = array<i32>} : memref<200x64xf32, #tpu.memory_space<vmem>>, vector<1x16xf32>,
        %get3A_91 = vector.shape_cast %get3A_90 : vector<1x16xf32> to vector<16xf32>
        %add3A_92 = arith.addf %scan3A_85, %get3A_91 : vector<16xf32>
        %get3A_93 = arith.index_cast %scan3A_84 : i32 to index
        %get3A_94 = arith.constant 16 : index
        %get3A_95 = tpu.vector_load %arg6[%get3A_93, %get3A_94] {strides = array<i32>} : memref<200x64xf32, #tpu.memory_space<vmem>>, vector<1x16xf32>,
        %get3A_96 = vector.shape_cast %get3A_95 : vector<1x16xf32> to vector<16xf32>
        %add3A_97 = arith.addf %scan3A_86, %get3A_96 : vector<16xf32>
        %get3A_98 = arith.index_cast %scan3A_84 : i32 to index
        %get3A_99 = arith.constant 32 : index
        %get3A_100 = tpu.vector_load %arg6[%get3A_98, %get3A_99] {strides = array<i32>} : memref<200x64xf32, #tpu.memory_space<vmem>>, vector<1x16xf32>,
        %get3A_101 = vector.shape_cast %get3A_100 : vector<1x16xf32> to vector<16xf32>
        %add3A_102 = arith.addf %scan3A_87, %get3A_101 : vector<16xf32>
        %get3A_103 = arith.index_cast %scan3A_84 : i32 to index
        %get3A_104 = arith.constant 48 : index
        %get3A_105 = tpu.vector_load %arg6[%get3A_103, %get3A_104] {strides = array<i32>} : memref<200x64xf32, #tpu.memory_space<vmem>>, vector<1x16xf32>,
        %get3A_106 = vector.shape_cast %get3A_105 : vector<1x16xf32> to vector<16xf32>
        %add3A_107 = arith.addf %scan3A_88, %get3A_106 : vector<16xf32>
        scf.yield %add3A_92, %add3A_97, %add3A_102, %add3A_107 : vector<16xf32>, vector<16xf32>, vector<16xf32>, vector<16xf32>
      }
      %scan3A_56 = arith.constant 200 : i32
      %mul3A_57 = arith.constant 5.000000e-03 : f32
      %mul3A_58 = vector.broadcast %mul3A_57 : f32 to vector<16xf32>
      %mul3A_59 = arith.mulf %scan3A_55#0, %mul3A_58 : vector<16xf32>
      %swap3A = arith.constant 0 : index
      %swap3A_60 = tpu.vector_load %arg7[%swap3A] {strides = array<i32>} : memref<64xf32, #tpu.memory_space<vmem>>, vector<16xf32>,
      %swap3A_61 = vector.shape_cast %swap3A_60 : vector<16xf32> to vector<16xf32>
      %swap3A_62 = vector.shape_cast %mul3A_59 : vector<16xf32> to vector<16xf32>
      tpu.vector_store %arg7[%swap3A], %swap3A_62 {strides = array<i32>} : memref<64xf32, #tpu.memory_space<vmem>>, vector<16xf32>,
      %mul3A_63 = arith.constant 5.000000e-03 : f32
      %mul3A_64 = vector.broadcast %mul3A_63 : f32 to vector<16xf32>
      %mul3A_65 = arith.mulf %scan3A_55#1, %mul3A_64 : vector<16xf32>
      %swap3A_66 = arith.constant 16 : index
      %swap3A_67 = tpu.vector_load %arg7[%swap3A_66] {strides = array<i32>} : memref<64xf32, #tpu.memory_space<vmem>>, vector<16xf32>,
      %swap3A_68 = vector.shape_cast %swap3A_67 : vector<16xf32> to vector<16xf32>
      %swap3A_69 = vector.shape_cast %mul3A_65 : vector<16xf32> to vector<16xf32>
      tpu.vector_store %arg7[%swap3A_66], %swap3A_69 {strides = array<i32>} : memref<64xf32, #tpu.memory_space<vmem>>, vector<16xf32>,
      %mul3A_70 = arith.constant 5.000000e-03 : f32
      %mul3A_71 = vector.broadcast %mul3A_70 : f32 to vector<16xf32>
      %mul3A_72 = arith.mulf %scan3A_55#2, %mul3A_71 : vector<16xf32>
      %swap3A_73 = arith.constant 32 : index
      %swap3A_74 = tpu.vector_load %arg7[%swap3A_73] {strides = array<i32>} : memref<64xf32, #tpu.memory_space<vmem>>, vector<16xf32>,
      %swap3A_75 = vector.shape_cast %swap3A_74 : vector<16xf32> to vector<16xf32>
      %swap3A_76 = vector.shape_cast %mul3A_72 : vector<16xf32> to vector<16xf32>
      tpu.vector_store %arg7[%swap3A_73], %swap3A_76 {strides = array<i32>} : memref<64xf32, #tpu.memory_space<vmem>>, vector<16xf32>,
      %mul3A_77 = arith.constant 5.000000e-03 : f32
      %mul3A_78 = vector.broadcast %mul3A_77 : f32 to vector<16xf32>
      %mul3A_79 = arith.mulf %scan3A_55#3, %mul3A_78 : vector<16xf32>
      %swap3A_80 = arith.constant 48 : index
      %swap3A_81 = tpu.vector_load %arg7[%swap3A_80] {strides = array<i32>} : memref<64xf32, #tpu.memory_space<vmem>>, vector<16xf32>,
      %swap3A_82 = vector.shape_cast %swap3A_81 : vector<16xf32> to vector<16xf32>
      %swap3A_83 = vector.shape_cast %mul3A_79 : vector<16xf32> to vector<16xf32>
      tpu.vector_store %arg7[%swap3A_80], %swap3A_83 {strides = array<i32>} : memref<64xf32, #tpu.memory_space<vmem>>, vector<16xf32>,
      "tpu.region"() ({
        %run_scoped3A = tpu.sem_alloc : memref<!tpu.dma_semaphore, #tpu.memory_space<semaphore_mem>>
        %dma_start3A_84 = arith.constant 0 : i32
        %dma_start3A_85 = tpu.memref_slice %arg4[%add3A_9, %dma_start3A_84] : memref<4096x64xf32, #tpu.memory_space<hbm>> -> memref<1x64xf32, #tpu.memory_space<hbm>>
        %dma_start3A_86 = tpu.memref_squeeze %dma_start3A_85 : memref<1x64xf32, #tpu.memory_space<hbm>> -> memref<64xf32, #tpu.memory_space<hbm>>
        %dma_start3A_87 = arith.constant 0 : i32
        %dma_start3A_88 = tpu.memref_slice %arg4[%add3A_9, %dma_start3A_87] : memref<4096x64xf32, #tpu.memory_space<hbm>> -> memref<1x64xf32, #tpu.memory_space<hbm>>
        %dma_start3A_89 = tpu.memref_squeeze %dma_start3A_88 : memref<1x64xf32, #tpu.memory_space<hbm>> -> memref<64xf32, #tpu.memory_space<hbm>>
        tpu.enqueue_dma source(%arg7 : memref<64xf32, #tpu.memory_space<vmem>>) target(%dma_start3A_89 : memref<64xf32, #tpu.memory_space<hbm>>) target_semaphore(%run_scoped3A : memref<!tpu.dma_semaphore, #tpu.memory_space<semaphore_mem>>)
        %dma_wait3A_90 = arith.constant 0 : i32
        %dma_wait3A_91 = tpu.memref_slice %arg4[%add3A_9, %dma_wait3A_90] : memref<4096x64xf32, #tpu.memory_space<hbm>> -> memref<1x64xf32, #tpu.memory_space<hbm>>
        %dma_wait3A_92 = tpu.memref_squeeze %dma_wait3A_91 : memref<1x64xf32, #tpu.memory_space<hbm>> -> memref<64xf32, #tpu.memory_space<hbm>>
        %dma_wait3A_93 = arith.constant 0 : i32
        %dma_wait3A_94 = tpu.memref_slice %arg4[%add3A_9, %dma_wait3A_93] : memref<4096x64xf32, #tpu.memory_space<hbm>> -> memref<1x64xf32, #tpu.memory_space<hbm>>
        %dma_wait3A_95 = tpu.memref_squeeze %dma_wait3A_94 : memref<1x64xf32, #tpu.memory_space<hbm>> -> memref<64xf32, #tpu.memory_space<hbm>>
        tpu.wait_dma2 semaphore(%run_scoped3A : memref<!tpu.dma_semaphore, #tpu.memory_space<semaphore_mem>>) src(%arg7 : memref<64xf32, #tpu.memory_space<vmem>>) dst(%dma_wait3A_95 : memref<64xf32, #tpu.memory_space<hbm>>)
        tpu.yield
      }) : () -> ()
    }
    %scan3A_7 = arith.constant 128 : i32
    return
  }
}

</mosaic_0001>

<sc_bundles>
// kernel: _pool.3.cloned.1.call-start
scs
__scs_entry_jumppad:
0x0: {  	(pc) =	sbr.rel $0x88, $3  }
0x1: {  	(tag) =	ssettag $0x0;
	lr =	simm.s32 $0x1  }
0x2: {  	[smem:$0x3F9F] =	sst lr;
	_ =	strace $0xD0000000  }
0x3: {  	_ = 	snop  }
0x4: {  	_ = 	snop  }
0x5: {  	_ = 	snop  }
0x6: {  	_ = 	snop  }
0x7: {  	_ = 	snop  }
__scs_overlays_trampoline_lowered:
0x8: {  	[smem:$0x3FAE] =	sst s0  }
0x9: {  	[smem:$0x3FAF] =	sst s1  }
0xa: {  	[smem:$0x3FB0] =	sst s2  }
0xb: {  	[smem:$0x3FB1] =	sst s3  }
0xc: {  	[smem:$0x3FB2] =	sst s4  }
0xd: {  	[smem:$0x3FB3] =	sst s5  }
0xe: {  	[smem:$0x3FB4] =	sst s6  }
0xf: {  	[smem:$0x3FB5] =	sst s7  }
0x10: {  	[smem:$0x3FB6] =	sst s8  }
0x11: {  	[smem:$0x3FB7] =	sst s9;
	s0 =	simm.s32 @!p0 $0x0  }
0x12: {  	s1 =	sld [smem:$0x3F9D];
	s0 =	simm.s32 @p0 $0x1  }
0x13: {  	[smem:$0x3FB8] =	sst s0;
	s0 =	simm.s32 @!p1 $0x0  }
0x14: {  	s2 =	sld [smem:$0x3F9C];
	s0 =	simm.s32 @p1 $0x1  }
0x15: {  	[smem:$0x3FB9] =	sst s0;
	s0 =	simm.s32 @!p2 $0x0  }
0x16: {  	s3 =	sld [smem:$0x3FDB];
	s0 =	simm.s32 @p2 $0x1  }
0x17: {  	s4 =	simm.s32 $0x1BF5;
	[smem:$0x3FBB] =	sst s0  }
0x18: {  	s0 =	sld [smem:$0x3F9E];
	_ =	swait.ge [sflag:s4], $0x0  }
0x19: {  	s7 =	sld [smem:$0x3F9F]  }
0x1a: {  	s8 =	sadd.s32 $0xFFFFE003, lr  }
0x1b: {  	s9 =	sadd.s32 $0xFFFFFEF7, lr;
	s5 =	simm.s32 $0xFFFFFFFF;
	p2 =	slt.u32 s8, $0xFFFFF086  }
0x1c: {  	p1 =	slt.u32 s9, $0xF7A;
	s5 =	simm.s32 @!p2 $0x0  }
0x1d: {  	s5 =	simm.s32 @p1 $0x1;
	p0 =	seq.s32 s7, s2  }
0x1e: {  	s7 =	smul.u32 @!p0 $0xF7A, s2;
	p2 =	seq.s32 @!p0 s5, $0x0  }
0x1f: {  	s9 =	smul.u32 $0xF7A, s1;
	s8 =	simm.s32 @!p0 $0x1BF5;
	p2 =	por !p2, p0  }
0x20: {  	[sflag:s8] =	ssyncset.s32 @!p0 $0xFFFFF086;
	s6 =	sadd.s32 @!p0 s3, s7;
	s7 =	simm.s32 @!p0 $0x108  }
0x21: {  	s3 =	sadd.s32 s3, s9;
	s6 =	sadd.s32 @!p0 $0x88, s6;
	s7 =	simm.s32 @p2 $0x1082  }
0x22: {  	[simem:s7], [sflag:s8] =	dma.local @!p0 [hbm:s6], $0xF7A  }
0x23: {  	s9 =	sor.u32 $0xD0000000, s2;
	s6 =	simm.s32 $0x108;
	_ =	swait.ge @!p0 [sflag:s8], $0x0  }
0x24: {  	s3 =	sadd.s32 $0x88, s3;
	s6 =	simm.s32 @!p1 $0x1082;
	[sflag:s4] =	ssyncset.s32 $0xFFFFF086  }
0x25: {  	[simem:s6], [sflag:s4] =	dma.local [hbm:s3], $0xF7A  }
0x26: {  	[smem:$0x3F9F] =	sst s1;
	(tag) =	ssettag s2;
	_ =	strace s9  }
0x27: {  	s1 =	sld [smem:$0x3FAF]  }
0x28: {  	s2 =	sld [smem:$0x3FB0]  }
0x29: {  	s4 =	sld [smem:$0x3FB2]  }
0x2a: {  	p0 =	seq.s32 s5, $0x0;
	s5 =	sld [smem:$0x3FB3]  }
0x2b: {  	s6 =	sld [smem:$0x3FB4]  }
0x2c: {  	s7 =	sld [smem:$0x3FB5]  }
0x2d: {  	s3 =	simm.s32 $0x108;
	s8 =	sld [smem:$0x3FB6]  }
0x2e: {  	s3 =	simm.s32 @!p0 $0x1082;
	s9 =	sld [smem:$0x3FB7]  }
0x2f: {  	lr =	sadd.s32 s0, s3;
	s0 =	sld [smem:$0x3FAE]  }
0x30: {  	s3 =	sld [smem:$0x3FB1]  }
0x31: {  	[smem:$0x3FBA] =	sst s10  }
0x32: {  	s10 =	sld [smem:$0x3FB8];
	_ =	sdelay $0x3  }
0x33: {  	p0 =	seq.s32 s10, $0x1;
	s10 =	sld [smem:$0x3FBA];
	_ =	sdelay $0x3  }
0x34: {  	[smem:$0x3FBA] =	sst s10  }
0x35: {  	s10 =	sld [smem:$0x3FB9];
	_ =	sdelay $0x3  }
0x36: {  	p1 =	seq.s32 s10, $0x1;
	s10 =	sld [smem:$0x3FBA];
	_ =	sdelay $0x3  }
0x37: {  	[smem:$0x3FBA] =	sst s10  }
0x38: {  	s10 =	sld [smem:$0x3FBB]  }
0x39: {  	_ = 	snop;
	(pc) =	sbr.ind lr, $3  }
0x3a: {  	_ = 	snop  }
0x3b: {  	_ = 	snop  }
0x3c: {  	p2 =	seq.s32 s10, $0x1;
	s10 =	sld [smem:$0x3FBA]  }
0x3d: {  	_ =	shalt  }
0x3e: {  	_ =	shalt  }
0x3f: {  	_ =	shalt  }
0x40: {  	_ =	shalt  }
0x41: {  	_ =	shalt  }
0x42: {  	_ =	shalt  }
0x43: {  	_ =	shalt  }
0x44: {  	_ =	shalt  }
0x45: {  	_ =	shalt  }
0x46: {  	_ =	shalt  }
0x47: {  	_ =	shalt  }
0x48: {  	_ =	shalt  }
0x49: {  	_ =	shalt  }
0x4a: {  	_ =	shalt  }
0x4b: {  	_ =	shalt  }
0x4c: {  	_ =	shalt  }
0x4d: {  	_ =	shalt  }
0x4e: {  	_ =	shalt  }
0x4f: {  	_ =	shalt  }
0x50: {  	_ =	shalt  }
0x51: {  	_ =	shalt  }
0x52: {  	_ =	shalt  }
0x53: {  	_ =	shalt  }
0x54: {  	_ =	shalt  }
0x55: {  	_ =	shalt  }
0x56: {  	_ =	shalt  }
0x57: {  	_ =	shalt  }
0x58: {  	_ =	shalt  }
0x59: {  	_ =	shalt  }
0x5a: {  	_ =	shalt  }
0x5b: {  	_ =	shalt  }
0x5c: {  	_ =	shalt  }
0x5d: {  	_ =	shalt  }
0x5e: {  	_ =	shalt  }
0x5f: {  	_ =	shalt  }
0x60: {  	_ =	shalt  }
0x61: {  	_ =	shalt  }
0x62: {  	_ =	shalt  }
0x63: {  	_ =	shalt  }
0x64: {  	_ =	shalt  }
0x65: {  	_ =	shalt  }
0x66: {  	_ =	shalt  }
0x67: {  	_ =	shalt  }
0x68: {  	_ =	shalt  }
0x69: {  	_ =	shalt  }
0x6a: {  	_ =	shalt  }
0x6b: {  	_ =	shalt  }
0x6c: {  	_ =	shalt  }
0x6d: {  	_ =	shalt  }
0x6e: {  	_ =	shalt  }
0x6f: {  	_ =	shalt  }
0x70: {  	_ =	shalt  }
0x71: {  	_ =	shalt  }
0x72: {  	_ =	shalt  }
0x73: {  	_ =	shalt  }
0x74: {  	_ =	shalt  }
0x75: {  	_ =	shalt  }
0x76: {  	_ =	shalt  }
0x77: {  	_ =	shalt  }
0x78: {  	_ =	shalt  }
0x79: {  	_ =	shalt  }
0x7a: {  	_ =	shalt  }
0x7b: {  	_ =	shalt  }
0x7c: {  	_ =	shalt  }
0x7d: {  	_ =	shalt  }
0x7e: {  	_ =	shalt  }
0x7f: {  	_ =	shalt  }
0x80: {  	_ =	shalt  }
0x81: {  	_ =	shalt  }
0x82: {  	_ =	shalt  }
0x83: {  	_ =	shalt  }
0x84: {  	_ =	shalt  }
0x85: {  	_ =	shalt  }
0x86: {  	_ =	shalt  }
0x87: {  	_ =	shalt  }
.Lfunc_end0:
.L_simem_size_0:
called_computation_lowered:
.L_overlay_start_0:
0x88: {  	s2 =	sld [smem:$0x3FD9]  }
0x89: {  	s3 =	sld [smem:$0x3FFE];
	_ =	sdelay $0x1  }
0x8a: {  	s1 =	srdreg.scid  }
0x8b: {  	s0 =	sand.u32 $0x1, s1  }
0x8c: {  	s17 =	sshll.u32 s0, $0xA;
	s2 =	sadd.s32 s3, s2  }
0x8d: {  	s2 =	sadd.s32 s2, s17  }
0x8e: {  	[smem:$0x3FC6] =	sst s2  }
0x8f: {  	_ = 	snop  }
0x90: {  	s2 =	sld [smem:$0x3FD0];
	(tm) =	ssettm $0x1  }
0x91: {  	s18 =	sld [smem:$0x3FFB];
	_ =	sdelay $0x3  }
0x92: {  	_ =	strace s18  }
0x93: {  	s3 =	sld [smem:$0x3FFC];
	_ =	sdelay $0x3  }
0x94: {  	_ =	strace s3  }
0x95: {  	s3 =	sld [smem:$0x3FFD];
	_ =	sdelay $0x3  }
0x96: {  	_ =	strace s3  }
0x97: {  	_ =	strace $0x8FFFFFFF  }
0x98: {  	s19 =	sld [smem:$0x3FDB];
	_ =	sdelay $0x1  }
0x99: {  	s4 =	simm.s32 $_scs_section_size  }
0x9a: {  	s5 =	simm.s32 $_size__tile_overlayer_lowered;
	s6 =	simm.s32 $_tile_overlayer_lowered  }
0x9b: {  	s22 =	simm.s32 $0x1BFF;
	s21 =	sshll.u32 s6, $0x1;
	s3 =	sadd.s32 s4, s19  }
0x9c: {  	s7 =	simm.s32 $0x0;
	s20 =	sshll.u32 s5, $0x1;
	s5 =	sadd.s32 s21, s3  }
0x9d: {  	[timem:s7], [sflag:s22] =	dma.local [hbm:s5], s20  }
0x9e: {  	_ =	swait.ge [sflag:s22], s20  }
0x9f: {  	s4 =	ssub.s32 $0x0, s20;
	[sflag:s22] =	ssyncset.done $0x0  }
0xa0: {  	[sflag:s22] =	ssyncadd.s32 s4;
	_ =	sdelay $0x1  }
0xa1: {  	s23 =	simm.s32 $0x1B8B  }
0xa2: {  	_ =	swait.ge [sflag:s23], $0x1  }
0xa3: {  	[sflag:s23] =	ssyncset.done $0x0  }
0xa4: {  	s25 =	simm.s32 $0x1B8E;
	s24 =	sld [smem:$0x3FFE];
	[sflag:s23] =	ssyncadd.s32 $0xFFFFFFFF  }
0xa5: {  	s26 =	simm.s32 $execute0_lowered;
	[smem:$0x3FD2] =	sst s25  }
0xa6: {  	s5 =	sshll.u32 s26, $0x1;
	_ =	strace $0x80000046;
	[dreg:$0x1] =	wrdreg $0xFFFFFFFF  }
0xa7: {  	s28 =	simm.s32 $_size_execute0_lowered;
	s3 =	sadd.s32 s3, s5;
	[dreg:$0x0] =	wrdreg $0x0  }
0xa8: {  	s5 =	sshll.u32 s28, $0x1;
	[dreg:$0x2] =	wrdreg s3  }
0xa9: {  	[dreg:$0x3] =	wrdreg s5  }
0xaa: {  	[dreg:$0x4] =	wrdreg $0xC0  }
0xab: {  	_ =	task [dreg:s7], $0x5FFFF  }
0xac: {  	[dreg:$0x1] =	wrdreg $0xFFFFFFFF  }
0xad: {  	[dreg:$0x0] =	wrdreg $0x60  }
0xae: {  	[dreg:$0x2] =	wrdreg s24  }
0xaf: {  	[dreg:$0x3] =	wrdreg s2  }
0xb0: {  	[dreg:$0x4] =	wrdreg $0x9  }
0xb1: {  	_ =	task.clear_ibuf [dreg:s7], $0x5FFFF;
	_ =	strace $0x90000046  }
0xb2: {  	s29 =	simm.s32 $0x9;
	_ =	strace $0x80000048  }
0xb3: {  	_ =	swait.ge [sflag:s29], $0x1  }
0xb4: {  	[sflag:s29] =	ssyncadd.s32 $0xFFFFFFFF  }
0xb5: {  	_ =	strace $0x90000048  }
0xb6: {  	_ =	sfence  }
0xb7: {  	s30 =	sld [smem:$0x0];
	_ =	sdelay $0x2  }
0xb8: {  	s31 =	sshll.u32 s1, $0xD;
	s1 =	sshrl.u32 s1, $0x2  }
0xb9: {  	s3 =	sand.u32 $0x4000, s31;
	s1 =	sadd.s32 s1, s30  }
0xba: {  	s0 =	sor.u32 s3, s0;
	s1 =	sshll.u32 s1, $0x11  }
0xbb: {  	s0 =	sor.u32 s1, s0  }
0xbc: {  	s0 =	sadd.s32 $0x8F2B, s0  }
0xbd: {  	[sflag:s0] =	ssyncadd.remote.s32 $0x1  }
0xbe: {  	_ =	sfence.sel $0xFFFF  }
0xbf: {  	[dreg:$0x0] =	wrdreg $0xFFFFFFFF;
	(pc) =	sbr.abs _section_cstart, $3  }
0xc0: {  	[dreg:$0x1] =	wrdreg $0xFFFFFFFF  }
0xc1: {  	_ =	task.clear_ibuf [dreg:s7], $0x2FFFF;
	_ =	strace $0x9FFFFFFF  }
0xc2: {  	(tm) =	ssettm $0x7FFFFFFF  }
0xc3: {  	_ =	shalt  }
tec
execute0_lowered:
.L_overlay_start_1:
0x0: {  	(tag) =	ssettag $0x1  }
0x1: {  	s5 =	rddreg [dreg:$0x0]  }
0x2: {  	s1 =	rddreg [dreg:$0x1]  }
0x3: {  	s0 =	rddreg [dreg:$0x2];
	s2 =	simm.s32 $0x0;
	s3 =	srdreg.scid  }
0x4: {  	s10 =	simm.s32 $0xD0;
	s11 =	simm.s32 $0x68;
	s12 =	simm.s32 $0x19D0  }
0x5: {  	s13 =	simm.s32 $0x1;
	s14 =	simm.s32 $0x32D0;
	s15 =	simm.s32 $0x0  }
0x6: {  	[smem:$0x7FF] =	sst s2;
	s6 =	sand.u32 $0x1, s3;
	s4 =	sadd.s32 $0x600, s5  }
0x7: {  	s3 =	stileid.u32;
	s5 =	sadd.s32 $0xF42A00, s5;
	s7 =	ssub.s32 $0x2, s6  }
0x8: {  	s9 =	sshll.u32 s3, $0x8;
	s6 =	sshll.u32 s6, $0x7;
	s8 =	sshrl.u32 s7, $0x1  }
0x9: {  	_ =	strace $0x80000047;
	s6 =	sor.u32 s6, s9;
	s7 =	ssub.s32 s7, s8  }
0xa: {  	s9 =	simm.s32 $0x64;
	s8 =	simm.s32 $0x2;
	s7 =	smax.u32 s7, $0x1  }
.LBB2_1:
0xb: {  	s16 =	simm.s32 $0x0  }
.LBB2_2:
0xc: {  	s17 =	sadd.s32 s6, s16  }
0xd: {  	s18 =	smul.u32 $0x1A, s17;
	_ =	sdelay $0x1  }
0xe: {  	s19 =	simm.s32 $0x0;
	s18 =	sadd.s32 s4, s18  }
0xf: {  	[tilespmem:s19], [sflag:$0x2] =	stream.linear.gather [hbm4b:s18+s19], $0xD0, $0x38;
	[tilespmem:$0x3310] =	vst v63  }
0x10: {  	_ =	swait.ge [sflag:s8], $0xD0  }
0x11: {  	[sflag:s8] =	ssyncset.done $0x0  }
0x12: {  	[sflag:s8] =	ssyncadd.s32 $0xFFFFFF30  }
0x13: {  	[tilespmem:s10], [sflag:$0x1] =	stream.indirect.gather [hbm4b:s5+s9], $0x40, s19, s9, $0xb8;
	[tilespmem:$0x3310] =	vst v63  }
0x14: {  	_ = 	snop  }
0x15: {  	[tilespmem:s12], [sflag:$0x1] =	stream.indirect.gather [hbm4b:s5+s9], $0x40, s11, s9, $0xb8;
	[tilespmem:$0x3310] =	vst v63  }
0x16: {  	_ =	swait.ge [sflag:s13], $0x1900  }
0x17: {  	[sflag:s13] =	ssyncset.done $0x0  }
0x18: {  	[sflag:s13] =	ssyncadd.s32 $0xFFFFE700  }
0x19: {  	_ =	swait.ge [sflag:s13], $0x1900  }
0x1a: {  	[sflag:s13] =	ssyncset.done $0x0  }
0x1b: {  	s31 =	simm.s32 $0x0;
	[sflag:s13] =	ssyncadd.s32 $0xFFFFE700  }
0x1c: {  	v1 =	vld [tilespmem:s31+$0x100]  }
0x1d: {  	v2 =	vld [tilespmem:s31+$0xD0]  }
0x1e: {  	v0 =	vimm.f32 $0.0e+00;
	v3 =	vld [tilespmem:s31+$0xE0]  }
0x1f: {  	v5 =	vimm.f32 $0.0e+00;
	v6 =	vimm.f32 $0.0e+00;
	v7 =	vimm.f32 $0.0e+00;
	s18 =	simm.s32 $0x100;
	v4 =	vld [tilespmem:s31+$0xF0]  }
.LBB2_3:
0x20: {  	p0 =	sne.s32 s18, $0xC700  }
.Ltmp0:
0x21: {  	s19 =	sshra.s32 s18, $0x2;
	s18 =	sadd.s32 $0x100, s18;
	v0 =	vadd.f32 v1, v0;
	(pc) =	sbr.rel @p0 .LBB2_3-.Ltmp0, $4  }
0x22: {  	v1 =	vld [tilespmem:s19+$0x100];
	v5 =	vadd.f32 v2, v5  }
0x23: {  	v2 =	vld [tilespmem:s19+$0xD0];
	v6 =	vadd.f32 v3, v6  }
0x24: {  	v3 =	vld [tilespmem:s19+$0xE0];
	v7 =	vadd.f32 v4, v7  }
0x25: {  	v4 =	vld [tilespmem:s19+$0xF0]  }
0x26: {  	_ = 	snop  }
0x27: {  	v0 =	vadd.f32 v1, v0  }
0x28: {  	v2 =	vadd.f32 v2, v5  }
0x29: {  	v3 =	vadd.f32 v3, v6;
	v0 =	vmul.f32 $4.999999890e-03, v0  }
0x2a: {  	v4 =	vadd.f32 v4, v7;
	v2 =	vmul.f32 $4.999999890e-03, v2  }
0x2b: {  	v62 =	vmul.f32 $4.999999890e-03, v3;
	[tilespmem:$0x3300] =	vst v0  }
0x2c: {  	s16 =	sadd.s32 $0x1, s16;
	[tilespmem:$0x32D0] =	vst v2;
	v63 =	vmul.f32 $4.999999890e-03, v4  }
0x2d: {  	s17 =	sshll.u32 s17, $0x3;
	p0 =	sne.s32 s16, $0x80;
	[tilespmem:$0x32E0] =	vst v62  }
.Ltmp1:
0x2e: {  	s17 =	sadd.s32 s1, s17;
	[tilespmem:$0x32F0] =	vst v63;
	(pc) =	sbr.rel @p0 .LBB2_2-.Ltmp1, $4  }
0x2f: {  	[hbm4b:s17+s2] =	stream.linear.scatter [tilespmem:s14], [sflag:$0x2], $0x40, $0x38;
	[tilespmem:$0x3310] =	vst v63  }
0x30: {  	_ =	swait.ge [sflag:s8], $0x40  }
0x31: {  	[sflag:s8] =	ssyncset.done $0x0  }
0x32: {  	[sflag:s8] =	ssyncadd.s32 $0xFFFFFFC0  }
0x33: {  	s15 =	sadd.s32 $0x1, s15  }
0x34: {  	p0 =	sne.s32 s15, s7  }
.Ltmp2:
0x35: {  	_ = 	snop;
	(pc) =	sbr.rel @p0 .LBB2_1-.Ltmp2, $1  }
0x36: {  	_ =	sdelay $0x3  }
0x37: {  	_ =	sfence.sel $0x180000  }
0x38: {  	[bflag:$0x0] =	sbarrier.arrive $0xFFFF  }
0x39: {  	p0 =	sne.s32 s3, $0x0;
	_ =	strace $0x90000047  }
0x3a: {  	s0 =	sadd.s32 @!p0 $0x100000, s0;
	[bflag:$0x2] =	sbarrier.arrive $0xFFFF  }
0x3b: {  	[sflag:s0] =	ssyncadd.tile.s32 @!p0 $0x1;
	_ =	shalt  }
.Lfunc_end2:
_tile_overlayer_lowered:
.L_overlay_start_2:
0x3c: {  	(tag) =	ssettag $0x2  }
0x3d: {  	s0 =	rddreg [dreg:$0x0];
	s2 =	stileid.u32  }
0x3e: {  	s1 =	rddreg [dreg:$0x1];
	p0 =	sne.s32 s2, $0x0  }
0x3f: {  	s3 =	rddreg [dreg:$0x2];
	[bflag:$0x3] =	sbarrier.arrive $0xFFFF;
	s2 =	simm.s32 @!p0 $0x1C02  }
0x40: {  	[timem:s3], [sflag:s2] =	dma.local @!p0 [hbm:s0], s1  }
0x41: {  	s0 =	simm.s32 @!p0 $0x2  }
0x42: {  	_ =	swait.ge @!p0 [sflag:s0], s1  }
0x43: {  	s1 =	ssub.s32 @!p0 $0x0, s1;
	[sflag:s0] =	ssyncset.done @!p0 $0x0  }
0x44: {  	[sflag:s0] =	ssyncadd.s32 @!p0 s1  }
0x45: {  	[bflag:$0x3] =	sbarrier.arrive $0xFFFF  }
0x46: {  	_ =	shalt  }

</sc_bundles>
